<compile_context>
chip_gen: v7x
topology: tpu7x:2x2x1
jax: 0.10.2.dev20260603
libtpu: 0.0.44.dev20260713+nightly
codegen_flags: <defaults>
</compile_context>

<pallas_src>
import functools

import jax
import jax.numpy as jnp
import numpy as np
from jax import lax
from jax.experimental import pallas as pl
from jax.experimental.pallas import tpu as pltpu
from jax.experimental.pallas import tpu_sc as plsc

N_NODES_C = 100000
MAX_DEG_C = 64
NUM_ADJ_C = 2
BATCH_C = 16384
OUT_COLS = 32

_info = plsc.get_sparse_core_info()
_NC, _NS, _L = _info.num_cores, _info.num_subcores, _info.num_lanes
_NW = _NC * _NS
_SEG = BATCH_C // 2

_PERM = np.array(
    [35, 45, 31, 63, 7, 4, 29, 44, 16, 58, 37, 19, 61, 2, 34, 5,
     30, 42, 3, 39, 56, 22, 6, 54, 18, 10, 11, 53, 32, 15, 49, 50,
     20, 43, 8, 24, 9, 40, 59, 25, 13, 52, 62, 60, 47, 33, 14, 17,
     38, 23, 0, 41, 21, 26, 57, 1, 28, 48, 36, 55, 51, 27, 12, 46],
    dtype=np.int32)


def _sc_gather(table_t, ids, row_list):

    mesh = plsc.VectorSubcoreMesh(core_axis_name="c", subcore_axis_name="s")

    @functools.partial(
        pl.kernel,
        mesh=mesh,
        out_type=jax.ShapeDtypeStruct((OUT_COLS, BATCH_C), jnp.int32),
        scratch_types=[
            pltpu.VMEM((1, N_NODES_C), jnp.int32),
            pltpu.VMEM((OUT_COLS,), jnp.int32),
            pltpu.VMEM((_SEG,), jnp.int32),
            pltpu.VMEM((_SEG,), jnp.int32),
            pltpu.VMEM((_SEG,), jnp.int32),
            pltpu.SemaphoreType.DMA,
            pltpu.SemaphoreType.DMA,
            pltpu.SemaphoreType.DMA,
        ],
        compiler_params=pltpu.CompilerParams(
            needs_layout_passes=False, use_tc_tiling_on_sc=True
        ),
    )
    def k(table_hbm, ids_hbm, rows_hbm, out_hbm, row_v, rl_v, ids_v, col_a,
          col_b, sem_r, sem_i, sem_o):
        w = lax.axis_index("s") * _NC + lax.axis_index("c")
        pltpu.sync_copy(rows_hbm, rl_v)
        lane = lax.rem(w, _L)
        half = lax.div(w, _L)
        vec = jnp.where(
            jnp.full((_L,), half, dtype=jnp.int32) == 0,
            rl_v[pl.ds(0, _L)],
            rl_v[pl.ds(_L, _L)],
        )
        lanes = lax.iota(jnp.int32, _L)
        masked = jnp.where(lanes == jnp.full((_L,), lane, dtype=jnp.int32),
                           vec, jnp.zeros((_L,), jnp.int32))
        r = jnp.max(masked)
        row_dma = pltpu.async_copy(table_hbm.at[pl.ds(r, 1)], row_v, sem_r)
        ids0_dma = pltpu.async_copy(ids_hbm.at[pl.ds(0, _SEG)], ids_v, sem_i)
        row_flat = row_v.at[0]
        row_dma.wait()
        ids0_dma.wait()

        def gather_seg(col_v):
            @plsc.parallel_loop(0, _SEG // _L, 1, unroll=8)
            def _(i):
                iv = ids_v[pl.ds(i * _L, _L)]
                col_v[pl.ds(i * _L, _L)] = plsc.load_gather(row_flat, [iv])

        gather_seg(col_a)
        out0_dma = pltpu.async_copy(col_a, out_hbm.at[w, pl.ds(0, _SEG)],
                                    sem_o)
        pltpu.sync_copy(ids_hbm.at[pl.ds(_SEG, _SEG)], ids_v)
        gather_seg(col_b)
        out0_dma.wait()
        pltpu.sync_copy(col_b, out_hbm.at[w, pl.ds(_SEG, _SEG)])

    return k(table_t, ids, row_list)


def kernel(adj_info, ids, num_samples, aid):
    table_t = adj_info.transpose(0, 2, 1).reshape(
        NUM_ADJ_C * MAX_DEG_C, N_NODES_C)
    perm = jnp.asarray(_PERM)
    start = (num_samples - OUT_COLS).astype(jnp.int32) if hasattr(
        num_samples, "astype") else jnp.int32(num_samples - OUT_COLS)
    cols = lax.dynamic_slice(perm, (start,), (OUT_COLS,))
    row_list = (cols + aid * MAX_DEG_C).astype(jnp.int32)
    out_t = _sc_gather(table_t, ids.astype(jnp.int32), row_list)
    return out_t.T

# --- scband reference (transcript-rebuilt; emitter-appended) ---
"""Pipeline reference for scband-seq-uniform-neighbor-sampler-51419348467784 (READ-ONLY COPY).

The authoritative reference and input builder live on the scoring server;
editing this copy changes nothing except your own understanding.
"""

import jax, jax.numpy as jnp
import numpy as np

N_NODES = 100000
MAX_DEG = 64
NUM_ADJ = 2
BATCH = 16384
NUM_SAMPLES = 32
AID = 1


def setup_inputs(seed: int = 0) -> dict:
    key = jax.random.key(seed)
    k1, k2 = jax.random.split(key)
    # adj_info is the constructor tensor: [NUM_ADJ, N_NODES, MAX_DEG] padded adjacency lists of node ids
    adj_info = jax.random.randint(k1, (NUM_ADJ, N_NODES, MAX_DEG), 0, N_NODES, dtype=jnp.int32)
    ids = jax.random.randint(k2, (BATCH,), 0, N_NODES, dtype=jnp.int32)
    return {"adj_info": adj_info, "ids": ids, "num_samples": NUM_SAMPLES, "aid": AID}


def reference(adj_info, ids, num_samples, aid):
    # self.adj_info = tf.unstack(adj_info, axis=0); pick table `aid`
    adj = adj_info[aid]  # [N_NODES, MAX_DEG]
    # tf.nn.embedding_lookup(self.adj_info[aid], ids)
    adj_lists = jnp.take(adj, ids, axis=0)  # [BATCH, MAX_DEG]
    # tf.transpose -> tf.random_shuffle (shuffles leading dim, i.e. one shared
    # permutation of the neighbor axis) -> tf.transpose back
    perm = jax.random.permutation(jax.random.key(42), adj_lists.shape[1])
    adj_lists = adj_lists[:, perm]
    # tf.slice(adj_lists, [0, 0], [-1, num_samples])
    start_col = num_samples - NUM_SAMPLES
    return jax.lax.dynamic_slice(
        adj_lists, (0, start_col), (adj_lists.shape[0], NUM_SAMPLES)
    )

if __name__ == "__main__":
    import jax
    _d = setup_inputs()
    print(jax.jit(kernel)(*tuple(_d.values())))

</pallas_src>

<mosaic_0001>
#map = affine_map<(d0, d1) -> (0, 0)>
#map1 = affine_map<(d0, d1) -> (0)>
module attributes {stable_mosaic.version = 14 : i64} {
  func.func @k(%arg0: i32, %arg1: i32, %arg2: memref<128x100000xi32, #tpu.memory_space<hbm>>, %arg3: memref<16384xi32, #tpu.memory_space<hbm>>, %arg4: memref<32xi32, #tpu.memory_space<hbm>>, %arg5: memref<32x16384xi32, #tpu.memory_space<hbm>>, %arg6: memref<1x100000xi32, #tpu.memory_space<vmem>>, %arg7: memref<32xi32, #tpu.memory_space<vmem>>, %arg8: memref<8192xi32, #tpu.memory_space<vmem>>, %arg9: memref<8192xi32, #tpu.memory_space<vmem>>, %arg10: memref<8192xi32, #tpu.memory_space<vmem>>, %arg11: memref<!tpu.dma_semaphore, #tpu.memory_space<semaphore_mem>>, %arg12: memref<!tpu.dma_semaphore, #tpu.memory_space<semaphore_mem>>, %arg13: memref<!tpu.dma_semaphore, #tpu.memory_space<semaphore_mem>>) attributes {dimension_semantics = [#tpu.dimension_semantics<core_parallel>, #tpu.dimension_semantics<subcore_parallel>], iteration_bounds = array<i64: 2, 16>, scalar_prefetch = 0 : i64, scratch_operands = 8 : i64, tpu.core_type = #tpu.core_type<sc_vector_subcore>, window_params = [{transform_indices = #map}, {transform_indices = #map1}, {transform_indices = #map1}, {transform_indices = #map}]} {
    %mul3A = arith.constant 2 : i32
    %mul3A_0 = arith.muli %arg1, %mul3A : i32
    %add3A = arith.addi %mul3A_0, %arg0 : i32
    "tpu.region"() ({
      %run_scoped3A = tpu.sem_alloc : memref<!tpu.dma_semaphore, #tpu.memory_space<semaphore_mem>>
      tpu.enqueue_dma source(%arg4 : memref<32xi32, #tpu.memory_space<hbm>>) target(%arg7 : memref<32xi32, #tpu.memory_space<vmem>>) target_semaphore(%run_scoped3A : memref<!tpu.dma_semaphore, #tpu.memory_space<semaphore_mem>>)
      tpu.wait_dma2 semaphore(%run_scoped3A : memref<!tpu.dma_semaphore, #tpu.memory_space<semaphore_mem>>) src(%arg4 : memref<32xi32, #tpu.memory_space<hbm>>) dst(%arg7 : memref<32xi32, #tpu.memory_space<vmem>>)
      tpu.yield
    }) : () -> ()
    %rem3A = arith.constant 16 : i32
    %rem3A_1 = arith.remsi %add3A, %rem3A : i32
    %div3A = arith.constant 16 : i32
    %div3A_2 = arith.divsi %add3A, %div3A : i32
    %broadcast_in_dim3A = vector.broadcast %div3A_2 : i32 to vector<16xi32>
    %eq3A = arith.constant 0 : i32
    %eq3A_3 = vector.broadcast %eq3A : i32 to vector<16xi32>
    %eq3A_4 = arith.cmpi eq, %broadcast_in_dim3A, %eq3A_3 : vector<16xi32>
    %get3A = arith.constant 0 : index
    %get3A_5 = tpu.vector_load %arg7[%get3A] {strides = array<i32>} : memref<32xi32, #tpu.memory_space<vmem>>, vector<16xi32>,
    %get3A_6 = arith.constant 16 : index
    %get3A_7 = tpu.vector_load %arg7[%get3A_6] {strides = array<i32>} : memref<32xi32, #tpu.memory_space<vmem>>, vector<16xi32>,
    %select_n3A = arith.select %eq3A_4, %get3A_5, %get3A_7 : vector<16xi1>, vector<16xi32>
    %iota3A = tpu.iota {dimensions = array<i32: 0>} : vector<16xi32>
    %broadcast_in_dim3A_8 = vector.broadcast %rem3A_1 : i32 to vector<16xi32>
    %eq3A_9 = arith.cmpi eq, %iota3A, %broadcast_in_dim3A_8 : vector<16xi32>
    %broadcast_in_dim3A_10 = arith.constant 0 : i32
    %broadcast_in_dim3A_11 = vector.broadcast %broadcast_in_dim3A_10 : i32 to vector<16xi32>
    %select_n3A_12 = arith.select %eq3A_9, %select_n3A, %broadcast_in_dim3A_11 : vector<16xi1>, vector<16xi32>
    %reduce_max3A = arith.constant true
    %reduce_max3A_13 = vector.broadcast %reduce_max3A : i1 to vector<16xi1>
    %reduce_max3A_14 = arith.constant -2147483648 : i32
    %reduce_max3A_15 = vector.broadcast %reduce_max3A_14 : i32 to vector<16xi32>
    %reduce_max3A_16 = arith.xori %select_n3A_12, %reduce_max3A_15 : vector<16xi32>
    %reduce_max3A_17 = tpu.scan <max>, %reduce_max3A_16 masked %reduce_max3A_13 : vector<16xi32>, vector<16xi1> -> vector<16xi32>
    %reduce_max3A_18 = arith.xori %reduce_max3A_17, %reduce_max3A_15 : vector<16xi32>
    %reduce_max3A_19 = vector.extract %reduce_max3A_18[15] : i32 from vector<16xi32>
    %dma_start3A = arith.constant 0 : i32
    %dma_start3A_20 = tpu.memref_slice %arg2[%reduce_max3A_19, %dma_start3A] : memref<128x100000xi32, #tpu.memory_space<hbm>> -> memref<1x100000xi32, #tpu.memory_space<hbm>>
    %dma_start3A_21 = arith.constant 0 : i32
    %dma_start3A_22 = tpu.memref_slice %arg2[%reduce_max3A_19, %dma_start3A_21] : memref<128x100000xi32, #tpu.memory_space<hbm>> -> memref<1x100000xi32, #tpu.memory_space<hbm>>
    tpu.enqueue_dma source(%dma_start3A_22 : memref<1x100000xi32, #tpu.memory_space<hbm>>) target(%arg6 : memref<1x100000xi32, #tpu.memory_space<vmem>>) target_semaphore(%arg11 : memref<!tpu.dma_semaphore, #tpu.memory_space<semaphore_mem>>)
    %dma_start3A_23 = arith.constant 0 : i32
    %dma_start3A_24 = tpu.memref_slice %arg3[%dma_start3A_23] : memref<16384xi32, #tpu.memory_space<hbm>> -> memref<8192xi32, #tpu.memory_space<hbm>>
    %dma_start3A_25 = arith.constant 0 : i32
    %dma_start3A_26 = tpu.memref_slice %arg3[%dma_start3A_25] : memref<16384xi32, #tpu.memory_space<hbm>> -> memref<8192xi32, #tpu.memory_space<hbm>>
    tpu.enqueue_dma source(%dma_start3A_26 : memref<8192xi32, #tpu.memory_space<hbm>>) target(%arg8 : memref<8192xi32, #tpu.memory_space<vmem>>) target_semaphore(%arg12 : memref<!tpu.dma_semaphore, #tpu.memory_space<semaphore_mem>>)
    %dma_wait3A = arith.constant 0 : i32
    %dma_wait3A_27 = tpu.memref_slice %arg2[%reduce_max3A_19, %dma_wait3A] : memref<128x100000xi32, #tpu.memory_space<hbm>> -> memref<1x100000xi32, #tpu.memory_space<hbm>>
    %dma_wait3A_28 = arith.constant 0 : i32
    %dma_wait3A_29 = tpu.memref_slice %arg2[%reduce_max3A_19, %dma_wait3A_28] : memref<128x100000xi32, #tpu.memory_space<hbm>> -> memref<1x100000xi32, #tpu.memory_space<hbm>>
    tpu.wait_dma2 semaphore(%arg11 : memref<!tpu.dma_semaphore, #tpu.memory_space<semaphore_mem>>) src(%dma_wait3A_29 : memref<1x100000xi32, #tpu.memory_space<hbm>>) dst(%arg6 : memref<1x100000xi32, #tpu.memory_space<vmem>>)
    %dma_wait3A_30 = arith.constant 0 : i32
    %dma_wait3A_31 = tpu.memref_slice %arg3[%dma_wait3A_30] : memref<16384xi32, #tpu.memory_space<hbm>> -> memref<8192xi32, #tpu.memory_space<hbm>>
    %dma_wait3A_32 = arith.constant 0 : i32
    %dma_wait3A_33 = tpu.memref_slice %arg3[%dma_wait3A_32] : memref<16384xi32, #tpu.memory_space<hbm>> -> memref<8192xi32, #tpu.memory_space<hbm>>
    tpu.wait_dma2 semaphore(%arg12 : memref<!tpu.dma_semaphore, #tpu.memory_space<semaphore_mem>>) src(%dma_wait3A_33 : memref<8192xi32, #tpu.memory_space<hbm>>) dst(%arg8 : memref<8192xi32, #tpu.memory_space<vmem>>)
    %parallel_loop3A = arith.constant 0 : i32
    %parallel_loop3A_34 = arith.constant 512 : i32
    %parallel_loop3A_35 = arith.constant 1 : i32
    %parallel_loop3A_36 = arith.constant 0 : i32
    scf.for %parallel_loop3A_53 = %parallel_loop3A to %parallel_loop3A_34 step %parallel_loop3A_35  : i32 {
      %parallel_loop3A_54 = arith.constant 16 : i32
      %parallel_loop3A_55 = arith.muli %parallel_loop3A_53, %parallel_loop3A_54 : i32
      %parallel_loop3A_56 = arith.index_cast %parallel_loop3A_55 : i32 to index
      %parallel_loop3A_57 = tpu.vector_load %arg8[%parallel_loop3A_56] {strides = array<i32>} : memref<8192xi32, #tpu.memory_space<vmem>>, vector<16xi32>,
      %parallel_loop3A_58 = arith.constant 0 : i32
      %parallel_loop3A_59 = tpu.memref_slice %arg6[%parallel_loop3A_36, %parallel_loop3A_58] : memref<1x100000xi32, #tpu.memory_space<vmem>> -> memref<1x100000xi32, #tpu.memory_space<vmem>>
      %parallel_loop3A_60 = tpu.memref_squeeze %parallel_loop3A_59 : memref<1x100000xi32, #tpu.memory_space<vmem>> -> memref<100000xi32, #tpu.memory_space<vmem>>
      %parallel_loop3A_61 = tpu.vector_load_idx %parallel_loop3A_60[%parallel_loop3A_57] : memref<100000xi32, #tpu.memory_space<vmem>>[vector<16xi32>], vector<16xi32>,
      %parallel_loop3A_62 = arith.constant 16 : i32
      %parallel_loop3A_63 = arith.muli %parallel_loop3A_53, %parallel_loop3A_62 : i32
      %parallel_loop3A_64 = arith.index_cast %parallel_loop3A_63 : i32 to index
      %parallel_loop3A_65 = tpu.vector_load %arg9[%parallel_loop3A_64] {strides = array<i32>} : memref<8192xi32, #tpu.memory_space<vmem>>, vector<16xi32>,
      tpu.vector_store %arg9[%parallel_loop3A_64], %parallel_loop3A_61 {strides = array<i32>} : memref<8192xi32, #tpu.memory_space<vmem>>, vector<16xi32>,
    } {sc.loop_unroll_factor = 8 : i64, sc.parallel_access}
    %dma_start3A_37 = arith.constant 0 : i32
    %dma_start3A_38 = tpu.memref_slice %arg5[%add3A, %dma_start3A_37] : memref<32x16384xi32, #tpu.memory_space<hbm>> -> memref<1x8192xi32, #tpu.memory_space<hbm>>
    %dma_start3A_39 = tpu.memref_squeeze %dma_start3A_38 : memref<1x8192xi32, #tpu.memory_space<hbm>> -> memref<8192xi32, #tpu.memory_space<hbm>>
    %dma_start3A_40 = arith.constant 0 : i32
    %dma_start3A_41 = tpu.memref_slice %arg5[%add3A, %dma_start3A_40] : memref<32x16384xi32, #tpu.memory_space<hbm>> -> memref<1x8192xi32, #tpu.memory_space<hbm>>
    %dma_start3A_42 = tpu.memref_squeeze %dma_start3A_41 : memref<1x8192xi32, #tpu.memory_space<hbm>> -> memref<8192xi32, #tpu.memory_space<hbm>>
    tpu.enqueue_dma source(%arg9 : memref<8192xi32, #tpu.memory_space<vmem>>) target(%dma_start3A_42 : memref<8192xi32, #tpu.memory_space<hbm>>) target_semaphore(%arg13 : memref<!tpu.dma_semaphore, #tpu.memory_space<semaphore_mem>>)
    "tpu.region"() ({
      %run_scoped3A = tpu.sem_alloc : memref<!tpu.dma_semaphore, #tpu.memory_space<semaphore_mem>>
      %dma_start3A_53 = arith.constant 8192 : i32
      %dma_start3A_54 = tpu.memref_slice %arg3[%dma_start3A_53] : memref<16384xi32, #tpu.memory_space<hbm>> -> memref<8192xi32, #tpu.memory_space<hbm>>
      %dma_start3A_55 = arith.constant 8192 : i32
      %dma_start3A_56 = tpu.memref_slice %arg3[%dma_start3A_55] : memref<16384xi32, #tpu.memory_space<hbm>> -> memref<8192xi32, #tpu.memory_space<hbm>>
      tpu.enqueue_dma source(%dma_start3A_56 : memref<8192xi32, #tpu.memory_space<hbm>>) target(%arg8 : memref<8192xi32, #tpu.memory_space<vmem>>) target_semaphore(%run_scoped3A : memref<!tpu.dma_semaphore, #tpu.memory_space<semaphore_mem>>)
      %dma_wait3A_57 = arith.constant 8192 : i32
      %dma_wait3A_58 = tpu.memref_slice %arg3[%dma_wait3A_57] : memref<16384xi32, #tpu.memory_space<hbm>> -> memref<8192xi32, #tpu.memory_space<hbm>>
      %dma_wait3A_59 = arith.constant 8192 : i32
      %dma_wait3A_60 = tpu.memref_slice %arg3[%dma_wait3A_59] : memref<16384xi32, #tpu.memory_space<hbm>> -> memref<8192xi32, #tpu.memory_space<hbm>>
      tpu.wait_dma2 semaphore(%run_scoped3A : memref<!tpu.dma_semaphore, #tpu.memory_space<semaphore_mem>>) src(%dma_wait3A_60 : memref<8192xi32, #tpu.memory_space<hbm>>) dst(%arg8 : memref<8192xi32, #tpu.memory_space<vmem>>)
      tpu.yield
    }) : () -> ()
    %parallel_loop3A_43 = arith.constant 0 : i32
    %parallel_loop3A_44 = arith.constant 512 : i32
    %parallel_loop3A_45 = arith.constant 1 : i32
    %parallel_loop3A_46 = arith.constant 0 : i32
    scf.for %parallel_loop3A_53 = %parallel_loop3A_43 to %parallel_loop3A_44 step %parallel_loop3A_45  : i32 {
      %parallel_loop3A_54 = arith.constant 16 : i32
      %parallel_loop3A_55 = arith.muli %parallel_loop3A_53, %parallel_loop3A_54 : i32
      %parallel_loop3A_56 = arith.index_cast %parallel_loop3A_55 : i32 to index
      %parallel_loop3A_57 = tpu.vector_load %arg8[%parallel_loop3A_56] {strides = array<i32>} : memref<8192xi32, #tpu.memory_space<vmem>>, vector<16xi32>,
      %parallel_loop3A_58 = arith.constant 0 : i32
      %parallel_loop3A_59 = tpu.memref_slice %arg6[%parallel_loop3A_46, %parallel_loop3A_58] : memref<1x100000xi32, #tpu.memory_space<vmem>> -> memref<1x100000xi32, #tpu.memory_space<vmem>>
      %parallel_loop3A_60 = tpu.memref_squeeze %parallel_loop3A_59 : memref<1x100000xi32, #tpu.memory_space<vmem>> -> memref<100000xi32, #tpu.memory_space<vmem>>
      %parallel_loop3A_61 = tpu.vector_load_idx %parallel_loop3A_60[%parallel_loop3A_57] : memref<100000xi32, #tpu.memory_space<vmem>>[vector<16xi32>], vector<16xi32>,
      %parallel_loop3A_62 = arith.constant 16 : i32
      %parallel_loop3A_63 = arith.muli %parallel_loop3A_53, %parallel_loop3A_62 : i32
      %parallel_loop3A_64 = arith.index_cast %parallel_loop3A_63 : i32 to index
      %parallel_loop3A_65 = tpu.vector_load %arg10[%parallel_loop3A_64] {strides = array<i32>} : memref<8192xi32, #tpu.memory_space<vmem>>, vector<16xi32>,
      tpu.vector_store %arg10[%parallel_loop3A_64], %parallel_loop3A_61 {strides = array<i32>} : memref<8192xi32, #tpu.memory_space<vmem>>, vector<16xi32>,
    } {sc.loop_unroll_factor = 8 : i64, sc.parallel_access}
    %dma_wait3A_47 = arith.constant 0 : i32
    %dma_wait3A_48 = tpu.memref_slice %arg5[%add3A, %dma_wait3A_47] : memref<32x16384xi32, #tpu.memory_space<hbm>> -> memref<1x8192xi32, #tpu.memory_space<hbm>>
    %dma_wait3A_49 = tpu.memref_squeeze %dma_wait3A_48 : memref<1x8192xi32, #tpu.memory_space<hbm>> -> memref<8192xi32, #tpu.memory_space<hbm>>
    %dma_wait3A_50 = arith.constant 0 : i32
    %dma_wait3A_51 = tpu.memref_slice %arg5[%add3A, %dma_wait3A_50] : memref<32x16384xi32, #tpu.memory_space<hbm>> -> memref<1x8192xi32, #tpu.memory_space<hbm>>
    %dma_wait3A_52 = tpu.memref_squeeze %dma_wait3A_51 : memref<1x8192xi32, #tpu.memory_space<hbm>> -> memref<8192xi32, #tpu.memory_space<hbm>>
    tpu.wait_dma2 semaphore(%arg13 : memref<!tpu.dma_semaphore, #tpu.memory_space<semaphore_mem>>) src(%arg9 : memref<8192xi32, #tpu.memory_space<vmem>>) dst(%dma_wait3A_52 : memref<8192xi32, #tpu.memory_space<hbm>>)
    "tpu.region"() ({
      %run_scoped3A = tpu.sem_alloc : memref<!tpu.dma_semaphore, #tpu.memory_space<semaphore_mem>>
      %dma_start3A_53 = arith.constant 8192 : i32
      %dma_start3A_54 = tpu.memref_slice %arg5[%add3A, %dma_start3A_53] : memref<32x16384xi32, #tpu.memory_space<hbm>> -> memref<1x8192xi32, #tpu.memory_space<hbm>>
      %dma_start3A_55 = tpu.memref_squeeze %dma_start3A_54 : memref<1x8192xi32, #tpu.memory_space<hbm>> -> memref<8192xi32, #tpu.memory_space<hbm>>
      %dma_start3A_56 = arith.constant 8192 : i32
      %dma_start3A_57 = tpu.memref_slice %arg5[%add3A, %dma_start3A_56] : memref<32x16384xi32, #tpu.memory_space<hbm>> -> memref<1x8192xi32, #tpu.memory_space<hbm>>
      %dma_start3A_58 = tpu.memref_squeeze %dma_start3A_57 : memref<1x8192xi32, #tpu.memory_space<hbm>> -> memref<8192xi32, #tpu.memory_space<hbm>>
      tpu.enqueue_dma source(%arg10 : memref<8192xi32, #tpu.memory_space<vmem>>) target(%dma_start3A_58 : memref<8192xi32, #tpu.memory_space<hbm>>) target_semaphore(%run_scoped3A : memref<!tpu.dma_semaphore, #tpu.memory_space<semaphore_mem>>)
      %dma_wait3A_59 = arith.constant 8192 : i32
      %dma_wait3A_60 = tpu.memref_slice %arg5[%add3A, %dma_wait3A_59] : memref<32x16384xi32, #tpu.memory_space<hbm>> -> memref<1x8192xi32, #tpu.memory_space<hbm>>
      %dma_wait3A_61 = tpu.memref_squeeze %dma_wait3A_60 : memref<1x8192xi32, #tpu.memory_space<hbm>> -> memref<8192xi32, #tpu.memory_space<hbm>>
      %dma_wait3A_62 = arith.constant 8192 : i32
      %dma_wait3A_63 = tpu.memref_slice %arg5[%add3A, %dma_wait3A_62] : memref<32x16384xi32, #tpu.memory_space<hbm>> -> memref<1x8192xi32, #tpu.memory_space<hbm>>
      %dma_wait3A_64 = tpu.memref_squeeze %dma_wait3A_63 : memref<1x8192xi32, #tpu.memory_space<hbm>> -> memref<8192xi32, #tpu.memory_space<hbm>>
      tpu.wait_dma2 semaphore(%run_scoped3A : memref<!tpu.dma_semaphore, #tpu.memory_space<semaphore_mem>>) src(%arg10 : memref<8192xi32, #tpu.memory_space<vmem>>) dst(%dma_wait3A_64 : memref<8192xi32, #tpu.memory_space<hbm>>)
      tpu.yield
    }) : () -> ()
    return
  }
}

</mosaic_0001>

<sc_bundles>
// kernel: kernel.3.cloned.1.call-start
scs
__scs_entry_jumppad:
0x0: {  	(pc) =	sbr.rel $0x88, $3  }
0x1: {  	(tag) =	ssettag $0x0;
	lr =	simm.s32 $0x1  }
0x2: {  	[smem:$0x3F9D] =	sst lr;
	_ =	strace $0xD0000000  }
0x3: {  	_ = 	snop  }
0x4: {  	_ = 	snop  }
0x5: {  	_ = 	snop  }
0x6: {  	_ = 	snop  }
0x7: {  	_ = 	snop  }
__scs_overlays_trampoline_lowered:
0x8: {  	[smem:$0x3FAC] =	sst s0  }
0x9: {  	[smem:$0x3FAD] =	sst s1  }
0xa: {  	[smem:$0x3FAE] =	sst s2  }
0xb: {  	[smem:$0x3FAF] =	sst s3  }
0xc: {  	[smem:$0x3FB0] =	sst s4  }
0xd: {  	[smem:$0x3FB1] =	sst s5  }
0xe: {  	[smem:$0x3FB2] =	sst s6  }
0xf: {  	[smem:$0x3FB3] =	sst s7  }
0x10: {  	[smem:$0x3FB4] =	sst s8  }
0x11: {  	[smem:$0x3FB5] =	sst s9;
	s0 =	simm.s32 @!p0 $0x0  }
0x12: {  	s1 =	sld [smem:$0x3F9B];
	s0 =	simm.s32 @p0 $0x1  }
0x13: {  	[smem:$0x3FB6] =	sst s0;
	s0 =	simm.s32 @!p1 $0x0  }
0x14: {  	s2 =	sld [smem:$0x3F9A];
	s0 =	simm.s32 @p1 $0x1  }
0x15: {  	[smem:$0x3FB7] =	sst s0;
	s0 =	simm.s32 @!p2 $0x0  }
0x16: {  	s3 =	sld [smem:$0x3FDB];
	s0 =	simm.s32 @p2 $0x1  }
0x17: {  	s4 =	simm.s32 $0x1BF5;
	[smem:$0x3FB9] =	sst s0  }
0x18: {  	s0 =	sld [smem:$0x3F9C];
	_ =	swait.ge [sflag:s4], $0x0  }
0x19: {  	s7 =	sld [smem:$0x3F9D]  }
0x1a: {  	s8 =	sadd.s32 $0xFFFFE003, lr  }
0x1b: {  	s9 =	sadd.s32 $0xFFFFFEF7, lr;
	s5 =	simm.s32 $0xFFFFFFFF;
	p2 =	slt.u32 s8, $0xFFFFF086  }
0x1c: {  	p1 =	slt.u32 s9, $0xF7A;
	s5 =	simm.s32 @!p2 $0x0  }
0x1d: {  	s5 =	simm.s32 @p1 $0x1;
	p0 =	seq.s32 s7, s2  }
0x1e: {  	s7 =	smul.u32 @!p0 $0xF7A, s2;
	p2 =	seq.s32 @!p0 s5, $0x0  }
0x1f: {  	s9 =	smul.u32 $0xF7A, s1;
	s8 =	simm.s32 @!p0 $0x1BF5;
	p2 =	por !p2, p0  }
0x20: {  	[sflag:s8] =	ssyncset.s32 @!p0 $0xFFFFF086;
	s6 =	sadd.s32 @!p0 s3, s7;
	s7 =	simm.s32 @!p0 $0x108  }
0x21: {  	s3 =	sadd.s32 s3, s9;
	s6 =	sadd.s32 @!p0 $0x88, s6;
	s7 =	simm.s32 @p2 $0x1082  }
0x22: {  	[simem:s7], [sflag:s8] =	dma.local @!p0 [hbm:s6], $0xF7A  }
0x23: {  	s9 =	sor.u32 $0xD0000000, s2;
	s6 =	simm.s32 $0x108;
	_ =	swait.ge @!p0 [sflag:s8], $0x0  }
0x24: {  	s3 =	sadd.s32 $0x88, s3;
	s6 =	simm.s32 @!p1 $0x1082;
	[sflag:s4] =	ssyncset.s32 $0xFFFFF086  }
0x25: {  	[simem:s6], [sflag:s4] =	dma.local [hbm:s3], $0xF7A  }
0x26: {  	[smem:$0x3F9D] =	sst s1;
	(tag) =	ssettag s2;
	_ =	strace s9  }
0x27: {  	s1 =	sld [smem:$0x3FAD]  }
0x28: {  	s2 =	sld [smem:$0x3FAE]  }
0x29: {  	s4 =	sld [smem:$0x3FB0]  }
0x2a: {  	p0 =	seq.s32 s5, $0x0;
	s5 =	sld [smem:$0x3FB1]  }
0x2b: {  	s6 =	sld [smem:$0x3FB2]  }
0x2c: {  	s7 =	sld [smem:$0x3FB3]  }
0x2d: {  	s3 =	simm.s32 $0x108;
	s8 =	sld [smem:$0x3FB4]  }
0x2e: {  	s3 =	simm.s32 @!p0 $0x1082;
	s9 =	sld [smem:$0x3FB5]  }
0x2f: {  	lr =	sadd.s32 s0, s3;
	s0 =	sld [smem:$0x3FAC]  }
0x30: {  	s3 =	sld [smem:$0x3FAF]  }
0x31: {  	[smem:$0x3FB8] =	sst s10  }
0x32: {  	s10 =	sld [smem:$0x3FB6];
	_ =	sdelay $0x3  }
0x33: {  	p0 =	seq.s32 s10, $0x1;
	s10 =	sld [smem:$0x3FB8];
	_ =	sdelay $0x3  }
0x34: {  	[smem:$0x3FB8] =	sst s10  }
0x35: {  	s10 =	sld [smem:$0x3FB7];
	_ =	sdelay $0x3  }
0x36: {  	p1 =	seq.s32 s10, $0x1;
	s10 =	sld [smem:$0x3FB8];
	_ =	sdelay $0x3  }
0x37: {  	[smem:$0x3FB8] =	sst s10  }
0x38: {  	s10 =	sld [smem:$0x3FB9]  }
0x39: {  	_ = 	snop;
	(pc) =	sbr.ind lr, $3  }
0x3a: {  	_ = 	snop  }
0x3b: {  	_ = 	snop  }
0x3c: {  	p2 =	seq.s32 s10, $0x1;
	s10 =	sld [smem:$0x3FB8]  }
0x3d: {  	_ =	shalt  }
0x3e: {  	_ =	shalt  }
0x3f: {  	_ =	shalt  }
0x40: {  	_ =	shalt  }
0x41: {  	_ =	shalt  }
0x42: {  	_ =	shalt  }
0x43: {  	_ =	shalt  }
0x44: {  	_ =	shalt  }
0x45: {  	_ =	shalt  }
0x46: {  	_ =	shalt  }
0x47: {  	_ =	shalt  }
0x48: {  	_ =	shalt  }
0x49: {  	_ =	shalt  }
0x4a: {  	_ =	shalt  }
0x4b: {  	_ =	shalt  }
0x4c: {  	_ =	shalt  }
0x4d: {  	_ =	shalt  }
0x4e: {  	_ =	shalt  }
0x4f: {  	_ =	shalt  }
0x50: {  	_ =	shalt  }
0x51: {  	_ =	shalt  }
0x52: {  	_ =	shalt  }
0x53: {  	_ =	shalt  }
0x54: {  	_ =	shalt  }
0x55: {  	_ =	shalt  }
0x56: {  	_ =	shalt  }
0x57: {  	_ =	shalt  }
0x58: {  	_ =	shalt  }
0x59: {  	_ =	shalt  }
0x5a: {  	_ =	shalt  }
0x5b: {  	_ =	shalt  }
0x5c: {  	_ =	shalt  }
0x5d: {  	_ =	shalt  }
0x5e: {  	_ =	shalt  }
0x5f: {  	_ =	shalt  }
0x60: {  	_ =	shalt  }
0x61: {  	_ =	shalt  }
0x62: {  	_ =	shalt  }
0x63: {  	_ =	shalt  }
0x64: {  	_ =	shalt  }
0x65: {  	_ =	shalt  }
0x66: {  	_ =	shalt  }
0x67: {  	_ =	shalt  }
0x68: {  	_ =	shalt  }
0x69: {  	_ =	shalt  }
0x6a: {  	_ =	shalt  }
0x6b: {  	_ =	shalt  }
0x6c: {  	_ =	shalt  }
0x6d: {  	_ =	shalt  }
0x6e: {  	_ =	shalt  }
0x6f: {  	_ =	shalt  }
0x70: {  	_ =	shalt  }
0x71: {  	_ =	shalt  }
0x72: {  	_ =	shalt  }
0x73: {  	_ =	shalt  }
0x74: {  	_ =	shalt  }
0x75: {  	_ =	shalt  }
0x76: {  	_ =	shalt  }
0x77: {  	_ =	shalt  }
0x78: {  	_ =	shalt  }
0x79: {  	_ =	shalt  }
0x7a: {  	_ =	shalt  }
0x7b: {  	_ =	shalt  }
0x7c: {  	_ =	shalt  }
0x7d: {  	_ =	shalt  }
0x7e: {  	_ =	shalt  }
0x7f: {  	_ =	shalt  }
0x80: {  	_ =	shalt  }
0x81: {  	_ =	shalt  }
0x82: {  	_ =	shalt  }
0x83: {  	_ =	shalt  }
0x84: {  	_ =	shalt  }
0x85: {  	_ =	shalt  }
0x86: {  	_ =	shalt  }
0x87: {  	_ =	shalt  }
.Lfunc_end0:
.L_simem_size_0:
called_computation_lowered:
.L_overlay_start_0:
0x88: {  	s2 =	sld [smem:$0x3FD9]  }
0x89: {  	s3 =	sld [smem:$0x3FFE];
	_ =	sdelay $0x1  }
0x8a: {  	s1 =	srdreg.scid  }
0x8b: {  	s0 =	sand.u32 $0x1, s1  }
0x8c: {  	s17 =	sshll.u32 s0, $0xA;
	s2 =	sadd.s32 s3, s2  }
0x8d: {  	s2 =	sadd.s32 s2, s17  }
0x8e: {  	[smem:$0x3FC4] =	sst s2  }
0x8f: {  	_ = 	snop  }
0x90: {  	s2 =	sld [smem:$0x3FC9]  }
0x91: {  	s18 =	sld [smem:$0x3FC8]  }
0x92: {  	s4 =	sld [smem:$0x3FD0];
	(tm) =	ssettm $0x1  }
0x93: {  	s5 =	sld [smem:$0x3FFB];
	_ =	sdelay $0x3  }
0x94: {  	_ =	strace s5  }
0x95: {  	s5 =	sld [smem:$0x3FFC];
	_ =	sdelay $0x3  }
0x96: {  	_ =	strace s5  }
0x97: {  	s5 =	sld [smem:$0x3FFD];
	_ =	sdelay $0x3  }
0x98: {  	_ =	strace s5  }
0x99: {  	_ =	strace $0x8FFFFFFF  }
0x9a: {  	s19 =	sld [smem:$0x3FDB];
	_ =	sdelay $0x1  }
0x9b: {  	s6 =	simm.s32 $_scs_section_size  }
0x9c: {  	s7 =	simm.s32 $_size__tile_overlayer_lowered;
	s8 =	simm.s32 $_tile_overlayer_lowered  }
0x9d: {  	s22 =	simm.s32 $0x1BFF;
	s21 =	sshll.u32 s8, $0x1;
	s5 =	sadd.s32 s6, s19  }
0x9e: {  	s9 =	simm.s32 $0x0;
	s20 =	sshll.u32 s7, $0x1;
	s7 =	sadd.s32 s21, s5  }
0x9f: {  	[timem:s9], [sflag:s22] =	dma.local [hbm:s7], s20  }
0xa0: {  	_ =	swait.ge [sflag:s22], s20  }
0xa1: {  	s6 =	ssub.s32 $0x0, s20;
	[sflag:s22] =	ssyncset.done $0x0  }
0xa2: {  	[sflag:s22] =	ssyncadd.s32 s6;
	_ =	sdelay $0x1  }
0xa3: {  	s23 =	simm.s32 $0x1B8B  }
0xa4: {  	_ =	swait.ge [sflag:s23], $0x1  }
0xa5: {  	[sflag:s23] =	ssyncset.done $0x0  }
0xa6: {  	s25 =	simm.s32 $0x1B8E;
	s24 =	sld [smem:$0x3FFE];
	[sflag:s23] =	ssyncadd.s32 $0xFFFFFFFF  }
0xa7: {  	s26 =	simm.s32 $execute0_lowered;
	[smem:$0x3FD2] =	sst s25  }
0xa8: {  	s7 =	sshll.u32 s26, $0x1;
	_ =	strace $0x80000046;
	[dreg:$0x1] =	wrdreg $0xFFFFFFFF  }
0xa9: {  	s28 =	simm.s32 $_size_execute0_lowered;
	s5 =	sadd.s32 s5, s7;
	[dreg:$0x0] =	wrdreg $0x0  }
0xaa: {  	s7 =	sshll.u32 s28, $0x1;
	[dreg:$0x2] =	wrdreg s5  }
0xab: {  	[dreg:$0x3] =	wrdreg s7  }
0xac: {  	[dreg:$0x4] =	wrdreg $0xC0  }
0xad: {  	_ =	task [dreg:s9], $0x5FFFF  }
0xae: {  	[dreg:$0x1] =	wrdreg $0xFFFFFFFF  }
0xaf: {  	[dreg:$0x0] =	wrdreg $0x60  }
0xb0: {  	[dreg:$0x2] =	wrdreg s2  }
0xb1: {  	[dreg:$0x3] =	wrdreg s18  }
0xb2: {  	[dreg:$0x4] =	wrdreg s24  }
0xb3: {  	[dreg:$0x5] =	wrdreg s4  }
0xb4: {  	[dreg:$0x6] =	wrdreg $0x9  }
0xb5: {  	_ =	task.clear_ibuf [dreg:s9], $0x7FFFF;
	_ =	strace $0x90000046  }
0xb6: {  	s29 =	simm.s32 $0x9;
	_ =	strace $0x80000048  }
0xb7: {  	_ =	swait.ge [sflag:s29], $0x1  }
0xb8: {  	[sflag:s29] =	ssyncadd.s32 $0xFFFFFFFF  }
0xb9: {  	_ =	strace $0x90000048  }
0xba: {  	_ =	sfence  }
0xbb: {  	s30 =	sld [smem:$0x0];
	_ =	sdelay $0x2  }
0xbc: {  	s31 =	sshll.u32 s1, $0xD;
	s1 =	sshrl.u32 s1, $0x2  }
0xbd: {  	s3 =	sand.u32 $0x4000, s31;
	s1 =	sadd.s32 s1, s30  }
0xbe: {  	s0 =	sor.u32 s3, s0;
	s1 =	sshll.u32 s1, $0x11  }
0xbf: {  	s0 =	sor.u32 s1, s0  }
0xc0: {  	s0 =	sadd.s32 $0x8F2B, s0  }
0xc1: {  	[sflag:s0] =	ssyncadd.remote.s32 $0x1  }
0xc2: {  	_ =	sfence.sel $0xFFFF  }
0xc3: {  	[dreg:$0x0] =	wrdreg $0xFFFFFFFF;
	(pc) =	sbr.abs _section_cstart, $3  }
0xc4: {  	[dreg:$0x1] =	wrdreg $0xFFFFFFFF  }
0xc5: {  	_ =	task.clear_ibuf [dreg:s9], $0x2FFFF;
	_ =	strace $0x9FFFFFFF  }
0xc6: {  	(tm) =	ssettm $0x7FFFFFFF  }
0xc7: {  	_ =	shalt  }
tec
execute0_lowered:
.L_overlay_start_1:
0x0: {  	(tag) =	ssettag $0x1  }
0x1: {  	s1 =	rddreg [dreg:$0x0]  }
0x2: {  	s2 =	rddreg [dreg:$0x1]  }
0x3: {  	s5 =	rddreg [dreg:$0x2]  }
0x4: {  	s6 =	rddreg [dreg:$0x3]  }
0x5: {  	s0 =	rddreg [dreg:$0x4]  }
0x6: {  	s4 =	simm.s32 $0x0;
	s7 =	srdreg.scid;
	s3 =	stileid.u32  }
0x7: {  	s12 =	simm.s32 $0x4;
	s13 =	simm.s32 $0x80;
	s14 =	simm.s32 $0x400  }
0x8: {  	s15 =	simm.s32 $0x18780;
	s17 =	simm.s32 $0x2;
	s18 =	simm.s32 $0x1A780  }
0x9: {  	s19 =	simm.s32 $0x3;
	s20 =	simm.s32 $0x1C780;
	s21 =	simm.s32 $0x0  }
0xa: {  	[smem:$0x7FF] =	sst s4;
	s7 =	sand.u32 $0x1, s7;
	s8 =	sshll.u32 s3, $0x1  }
0xb: {  	s10 =	sshll.u32 s3, $0xC;
	s5 =	sadd.s32 $0x400, s5;
	s31 =	sshrl.u32 s3, $0x3  }
0xc: {  	_ =	strace $0x80000047;
	s9 =	ssub.s32 $0x2, s7;
	s7 =	sor.u32 s7, s8  }
0xd: {  	p0 =	seq.s32 s31, $0x0;
	s29 =	sshrl.u32 s9, $0x1;
	s11 =	sshll.u32 s7, $0x4  }
0xe: {  	s16 =	sand.u32 $0xF, s7;
	s7 =	sadd.s32 $0x400, s2;
	s30 =	sor.u32 s10, s11  }
0xf: {  	s9 =	ssub.s32 s9, s29;
	s10 =	simm.s32 $0x18700;
	s8 =	sand.u32 $0xC070, s30  }
0x10: {  	v1 =	vlaneseq.u32;
	s11 =	simm.s32 $0x18700;
	v0 =	vmov s16;
	s16 =	simm.s32 $0x1;
	s6 =	sadd.s32 s6, s8  }
0x11: {  	s9 =	smax.u32 s9, $0x1;
	s10 =	simm.s32 @!p0 $0x18710;
	vm0 =	veq.s32 v0, v1;
	s8 =	sadd.s32 $0x2000, s6  }
.LBB2_1:
0x12: {  	[tilespmem:s11], [sflag:$0x4] =	stream.linear.gather [hbm4b:s5+s4], $0x80, $0x38;
	[tilespmem:$0x1E780] =	vst v63  }
0x13: {  	_ =	swait.ge [sflag:s12], $0x80  }
0x14: {  	[sflag:s12] =	ssyncset.done $0x0  }
0x15: {  	[sflag:s12] =	ssyncadd.s32 $0xFFFFFF80  }
0x16: {  	v0 =	vld [tilespmem:s10+$0x0];
	_ =	sdelay $0x4  }
0x17: {  	v0 =	vxor.u32 $0x80000000, v0  }
0x18: {  	v0 =	vnsel vm0, $0x80000000, v0  }
0x19: {  	(xrf0) =	vmax.scan.msk.u32 $0xffff, v0;
	_ =	sdelay $0x5  }
0x1a: {  	v0, _, _ =	vpop (xrf0)  }
0x1b: {  	(v2sf) =	vpush v0, $0xF;
	_ =	sdelay $0xe  }
0x1c: {  	s22 =	spop (v2sf)  }
0x1d: {  	s23 =	sshrl.u32 s22, $0x3  }
0x1e: {  	s22 =	sshll.u32 s22, $0x7;
	s23 =	smul.u32 $0xC3800, s23  }
0x1f: {  	s22 =	sand.u32 $0x380, s22  }
0x20: {  	s22 =	sor.u32 s22, s23  }
0x21: {  	s22 =	sshrl.u32 s22, $0x3  }
0x22: {  	s22 =	sadd.s32 s1, s22  }
0x23: {  	[tilespmem:s4], [sflag:$0x1] =	stream.strided.gather [hbm4b:s22+s13], $0x18700, s14, s13, $0x38;
	[tilespmem:$0x1E780] =	vst v63  }
0x24: {  	_ = 	snop  }
0x25: {  	[tilespmem:s15], [sflag:$0x2] =	stream.linear.gather [hbm4b:s2+s4], $0x2000, $0x38;
	[tilespmem:$0x1E780] =	vst v63  }
0x26: {  	_ =	swait.ge [sflag:s16], $0x18700  }
0x27: {  	[sflag:s16] =	ssyncset.done $0x0  }
0x28: {  	[sflag:s16] =	ssyncadd.s32 $0xFFFE7900  }
0x29: {  	_ =	swait.ge [sflag:s17], $0x2000  }
0x2a: {  	[sflag:s17] =	ssyncset.done $0x0  }
0x2b: {  	s31 =	simm.s32 $0x187C0;
	[sflag:s17] =	ssyncadd.s32 $0xFFFFE000  }
0x2c: {  	v0 =	vld [tilespmem:s31+$0x30]  }
0x2d: {  	v1 =	vld [tilespmem:s31+$0xFFFFFFD0]  }
0x2e: {  	v2 =	vld [tilespmem:s31+$0xFFFFFFE0]  }
0x2f: {  	v3 =	vld [tilespmem:s31+$0xFFFFFFF0]  }
0x30: {  	v4 =	vld [tilespmem:s31+$0x0]  }
0x31: {  	v6 =	vld [tilespmem:s31+$0x10]  }
0x32: {  	v7 =	vld [tilespmem:s31+$0x20]  }
0x33: {  	v8 =	vld [tilespmem:s31+$0xFFFFFFC0]  }
0x34: {  	v9 =	vld.idx.msk [tilespmem:v0+s4+$0x0], $0xffff  }
0x35: {  	v10 =	vld.idx.msk [tilespmem:v1+s4+$0x0], $0xffff  }
0x36: {  	v5 =	vld.idx.msk [tilespmem:v2+s4+$0x0], $0xffff  }
0x37: {  	v3 =	vld.idx.msk [tilespmem:v3+s4+$0x0], $0xffff  }
0x38: {  	v0 =	vld.idx.msk [tilespmem:v4+s4+$0x0], $0xffff  }
0x39: {  	s22 =	simm.s32 $0x1A7C0;
	v1 =	vld.idx.msk [tilespmem:v6+s4+$0x0], $0xffff  }
0x3a: {  	v2 =	vld.idx.msk [tilespmem:v7+s4+$0x0], $0xffff;
	[tilespmem:s22+$0x30] =	vst v9  }
0x3b: {  	s24 =	simm.s32 $0x18840;
	s23 =	simm.s32 $0x0;
	v4 =	vld.idx.msk [tilespmem:v8+s4+$0x0], $0xffff;
	[tilespmem:s22+$0xFFFFFFD0] =	vst v10  }
.LBB2_2:
0x3c: {  	v6 =	vld [tilespmem:s24+$0x30];
	s23 =	sadd.s32 $0x8, s23;
	[tilespmem:s22+$0xFFFFFFE0] =	vst v5  }
0x3d: {  	v5 =	vld [tilespmem:s24+$0xFFFFFFD0];
	p0 =	slt.u32 s23, $0x1F8;
	[tilespmem:s22+$0xFFFFFFF0] =	vst v3  }
0x3e: {  	v3 =	vld [tilespmem:s24+$0xFFFFFFE0];
	[tilespmem:s22+$0x0] =	vst v0  }
0x3f: {  	v0 =	vld [tilespmem:s24+$0xFFFFFFF0];
	[tilespmem:s22+$0x10] =	vst v1  }
0x40: {  	v1 =	vld [tilespmem:s24+$0x0];
	[tilespmem:s22+$0x20] =	vst v2  }
0x41: {  	v2 =	vld [tilespmem:s24+$0x10];
	[tilespmem:s22+$0xFFFFFFC0] =	vst v4  }
0x42: {  	v4 =	vld [tilespmem:s24+$0x20]  }
0x43: {  	v7 =	vld [tilespmem:s24+$0xFFFFFFC0]  }
0x44: {  	v6 =	vld.idx.msk [tilespmem:v6+s4+$0x0], $0xffff  }
0x45: {  	v8 =	vld.idx.msk [tilespmem:v5+s4+$0x0], $0xffff  }
0x46: {  	v5 =	vld.idx.msk [tilespmem:v3+s4+$0x0], $0xffff  }
.Ltmp0:
0x47: {  	v3 =	vld.idx.msk [tilespmem:v0+s4+$0x0], $0xffff;
	(pc) =	sbr.rel @p0 .LBB2_2-.Ltmp0, $4  }
0x48: {  	v0 =	vld.idx.msk [tilespmem:v1+s4+$0x0], $0xffff  }
0x49: {  	s22 =	sadd.s32 $0x80, s22;
	v1 =	vld.idx.msk [tilespmem:v2+s4+$0x0], $0xffff  }
0x4a: {  	v2 =	vld.idx.msk [tilespmem:v4+s4+$0x0], $0xffff;
	[tilespmem:s22+$0x30] =	vst v6  }
0x4b: {  	s24 =	sadd.s32 $0x80, s24;
	v4 =	vld.idx.msk [tilespmem:v7+s4+$0x0], $0xffff;
	[tilespmem:s22+$0xFFFFFFD0] =	vst v8  }
0x4c: {  	[tilespmem:s22+$0xFFFFFFE0] =	vst v5  }
0x4d: {  	[tilespmem:s22+$0xFFFFFFF0] =	vst v3  }
0x4e: {  	[tilespmem:s22+$0x0] =	vst v0  }
0x4f: {  	[tilespmem:s22+$0x10] =	vst v1  }
0x50: {  	[tilespmem:s22+$0x20] =	vst v2  }
0x51: {  	[tilespmem:s22+$0xFFFFFFC0] =	vst v4  }
0x52: {  	[hbm4b:s6+s13] =	stream.strided.scatter [tilespmem:s18], [sflag:$0x3], $0x2000, s14, s13, $0x38;
	[tilespmem:$0x1E780] =	vst v63  }
0x53: {  	_ = 	snop  }
0x54: {  	[tilespmem:s15], [sflag:$0x4] =	stream.linear.gather [hbm4b:s7+s4], $0x2000, $0x38;
	[tilespmem:$0x1E780] =	vst v63  }
0x55: {  	_ =	swait.ge [sflag:s12], $0x2000  }
0x56: {  	[sflag:s12] =	ssyncset.done $0x0  }
0x57: {  	s31 =	simm.s32 $0x187C0;
	[sflag:s12] =	ssyncadd.s32 $0xFFFFE000  }
0x58: {  	v0 =	vld [tilespmem:s31+$0x30]  }
0x59: {  	v1 =	vld [tilespmem:s31+$0xFFFFFFD0]  }
0x5a: {  	v2 =	vld [tilespmem:s31+$0xFFFFFFE0]  }
0x5b: {  	v3 =	vld [tilespmem:s31+$0xFFFFFFF0]  }
0x5c: {  	v4 =	vld [tilespmem:s31+$0x0]  }
0x5d: {  	v6 =	vld [tilespmem:s31+$0x10]  }
0x5e: {  	v7 =	vld [tilespmem:s31+$0x20]  }
0x5f: {  	v8 =	vld [tilespmem:s31+$0xFFFFFFC0]  }
0x60: {  	v9 =	vld.idx.msk [tilespmem:v0+s4+$0x0], $0xffff  }
0x61: {  	v10 =	vld.idx.msk [tilespmem:v1+s4+$0x0], $0xffff  }
0x62: {  	v5 =	vld.idx.msk [tilespmem:v2+s4+$0x0], $0xffff  }
0x63: {  	v3 =	vld.idx.msk [tilespmem:v3+s4+$0x0], $0xffff  }
0x64: {  	v0 =	vld.idx.msk [tilespmem:v4+s4+$0x0], $0xffff  }
0x65: {  	s22 =	simm.s32 $0x1C7C0;
	v1 =	vld.idx.msk [tilespmem:v6+s4+$0x0], $0xffff  }
0x66: {  	v2 =	vld.idx.msk [tilespmem:v7+s4+$0x0], $0xffff;
	[tilespmem:s22+$0x30] =	vst v9  }
0x67: {  	s23 =	simm.s32 $0x0;
	s24 =	simm.s32 $0x18840;
	v4 =	vld.idx.msk [tilespmem:v8+s4+$0x0], $0xffff;
	[tilespmem:s22+$0xFFFFFFD0] =	vst v10  }
.LBB2_4:
0x68: {  	v6 =	vld [tilespmem:s24+$0x30];
	s23 =	sadd.s32 $0x8, s23;
	[tilespmem:s22+$0xFFFFFFE0] =	vst v5  }
0x69: {  	v5 =	vld [tilespmem:s24+$0xFFFFFFD0];
	p0 =	slt.u32 s23, $0x1F8;
	[tilespmem:s22+$0xFFFFFFF0] =	vst v3  }
0x6a: {  	v3 =	vld [tilespmem:s24+$0xFFFFFFE0];
	[tilespmem:s22+$0x0] =	vst v0  }
0x6b: {  	v0 =	vld [tilespmem:s24+$0xFFFFFFF0];
	[tilespmem:s22+$0x10] =	vst v1  }
0x6c: {  	v1 =	vld [tilespmem:s24+$0x0];
	[tilespmem:s22+$0x20] =	vst v2  }
0x6d: {  	v2 =	vld [tilespmem:s24+$0x10];
	[tilespmem:s22+$0xFFFFFFC0] =	vst v4  }
0x6e: {  	v4 =	vld [tilespmem:s24+$0x20]  }
0x6f: {  	v7 =	vld [tilespmem:s24+$0xFFFFFFC0]  }
0x70: {  	v6 =	vld.idx.msk [tilespmem:v6+s4+$0x0], $0xffff  }
0x71: {  	v8 =	vld.idx.msk [tilespmem:v5+s4+$0x0], $0xffff  }
0x72: {  	v5 =	vld.idx.msk [tilespmem:v3+s4+$0x0], $0xffff  }
.Ltmp1:
0x73: {  	v3 =	vld.idx.msk [tilespmem:v0+s4+$0x0], $0xffff;
	(pc) =	sbr.rel @p0 .LBB2_4-.Ltmp1, $4  }
0x74: {  	v0 =	vld.idx.msk [tilespmem:v1+s4+$0x0], $0xffff  }
0x75: {  	s22 =	sadd.s32 $0x80, s22;
	v1 =	vld.idx.msk [tilespmem:v2+s4+$0x0], $0xffff  }
0x76: {  	v2 =	vld.idx.msk [tilespmem:v4+s4+$0x0], $0xffff;
	[tilespmem:s22+$0x30] =	vst v6  }
0x77: {  	s24 =	sadd.s32 $0x80, s24;
	v4 =	vld.idx.msk [tilespmem:v7+s4+$0x0], $0xffff;
	[tilespmem:s22+$0xFFFFFFD0] =	vst v8  }
0x78: {  	[tilespmem:s22+$0xFFFFFFE0] =	vst v5  }
0x79: {  	[tilespmem:s22+$0xFFFFFFF0] =	vst v3  }
0x7a: {  	[tilespmem:s22+$0x0] =	vst v0  }
0x7b: {  	[tilespmem:s22+$0x10] =	vst v1  }
0x7c: {  	[tilespmem:s22+$0x20] =	vst v2  }
0x7d: {  	[tilespmem:s22+$0xFFFFFFC0] =	vst v4  }
0x7e: {  	s21 =	sadd.s32 $0x1, s21;
	_ =	swait.ge [sflag:s19], $0x2000  }
0x7f: {  	p0 =	sne.s32 s21, s9;
	[sflag:s19] =	ssyncset.done $0x0  }
.Ltmp2:
0x80: {  	[sflag:s19] =	ssyncadd.s32 $0xFFFFE000;
	(pc) =	sbr.rel @p0 .LBB2_1-.Ltmp2, $4  }
0x81: {  	[hbm4b:s8+s13] =	stream.strided.scatter [tilespmem:s20], [sflag:$0x4], $0x2000, s14, s13, $0x38;
	[tilespmem:$0x1E780] =	vst v63  }
0x82: {  	_ =	swait.ge [sflag:s12], $0x2000  }
0x83: {  	[sflag:s12] =	ssyncset.done $0x0  }
0x84: {  	[sflag:s12] =	ssyncadd.s32 $0xFFFFE000  }
0x85: {  	_ =	sfence.sel $0x180000  }
0x86: {  	[bflag:$0x0] =	sbarrier.arrive $0xFFFF  }
0x87: {  	p0 =	sne.s32 s3, $0x0;
	_ =	strace $0x90000047  }
0x88: {  	s0 =	sadd.s32 @!p0 $0x100000, s0;
	[bflag:$0x2] =	sbarrier.arrive $0xFFFF  }
0x89: {  	[sflag:s0] =	ssyncadd.tile.s32 @!p0 $0x1;
	_ =	shalt  }
.Lfunc_end2:
_tile_overlayer_lowered:
.L_overlay_start_2:
0x8a: {  	(tag) =	ssettag $0x2  }
0x8b: {  	s0 =	rddreg [dreg:$0x0];
	s2 =	stileid.u32  }
0x8c: {  	s1 =	rddreg [dreg:$0x1];
	p0 =	sne.s32 s2, $0x0  }
0x8d: {  	s3 =	rddreg [dreg:$0x2];
	[bflag:$0x3] =	sbarrier.arrive $0xFFFF;
	s2 =	simm.s32 @!p0 $0x1C04  }
0x8e: {  	[timem:s3], [sflag:s2] =	dma.local @!p0 [hbm:s0], s1  }
0x8f: {  	s0 =	simm.s32 @!p0 $0x4  }
0x90: {  	_ =	swait.ge @!p0 [sflag:s0], s1  }
0x91: {  	s1 =	ssub.s32 @!p0 $0x0, s1;
	[sflag:s0] =	ssyncset.done @!p0 $0x0  }
0x92: {  	[sflag:s0] =	ssyncadd.s32 @!p0 s1  }
0x93: {  	[bflag:$0x3] =	sbarrier.arrive $0xFFFF  }
0x94: {  	_ =	shalt  }

</sc_bundles>
